<compile_context>
chip_gen: v7x
topology: tpu7x:2x2x1
jax: 0.10.2.dev20260603
libtpu: 0.0.44.dev20260713+nightly
codegen_flags: <defaults>
</compile_context>

<pallas_src>
import functools

import jax
import jax.numpy as jnp
from jax import lax
from jax.experimental import pallas as pl
from jax.experimental.pallas import tpu as pltpu
from jax.experimental.pallas import tpu_sc as plsc

B = 16
MAX_LEN = 2048
D = 1024

NC = 2
NS = 16
HALF_LEN = MAX_LEN // NC
CHUNK = 64
NCHUNK = HALF_LEN // CHUNK
HB = 32
SPROWS = 896
PHASE_CHUNKS = (range(0, SPROWS // CHUNK), range(SPROWS // CHUNK, NCHUNK))

_mesh = plsc.VectorSubcoreMesh(core_axis_name="c", subcore_axis_name="s")


@functools.partial(
    pl.kernel,
    mesh=_mesh,
    out_type=jax.ShapeDtypeStruct((B * MAX_LEN, D), jnp.float32),
    scratch_types=[
        pltpu.VMEM((16,), jnp.int32),
        pltpu.VMEM((HB,), jnp.int32),
        pltpu.VMEM((HB,), jnp.int32),
        pltpu.VMEM((HB, D), jnp.float32),
        pltpu.VMEM((HB, D), jnp.float32),
        pltpu.VMEM_SHARED((SPROWS, D), jnp.float32),
        pltpu.VMEM_SHARED((CHUNK, D), jnp.float32),
        pltpu.SemaphoreType.DMA,
        pltpu.SemaphoreType.DMA,
        pltpu.SemaphoreType.DMA,
    ],
)
def _pos_enc_sc(len_hbm, table_hbm, tshift_hbm, pad_hbm, out_hbm, len_v,
                idx_a, idx_b, buf_a, buf_b, sp_data, sp_pad, stsem, gsem,
                csem):
    c = lax.axis_index("c")
    s = lax.axis_index("s")
    wid = s * NC + c
    i0 = c * HALF_LEN
    row_out0 = s * MAX_LEN + i0

    lane = lax.iota(jnp.int32, 16)

    pltpu.sync_copy(len_hbm.at[pl.ds(wid * 16, 16)], len_v)
    len_b = len_v[...][0]

    nd = jnp.clip(len_b - i0, 0, HALF_LEN)
    has_bnd = (nd % CHUNK) != 0
    kb = nd // CHUNK

    idxs = (idx_a, idx_b)
    bufs = (buf_a, buf_b)

    @pl.when(has_bnd)
    def _():
        for h in range(CHUNK // HB):
            for j in range(HB // 16):
                rows = i0 + kb * CHUNK + h * HB + j * 16 + lane
                idxs[h][pl.ds(j * 16, 16)] = jnp.where(rows < len_b, rows + 1,
                                                       0)
            pltpu.async_copy(table_hbm.at[idxs[h]], bufs[h], gsem)

    def chunk_ops(k, sp_base, fire):
        local_i = k * CHUNK
        row_out = row_out0 + local_i
        is_data = local_i + CHUNK <= nd
        is_pad = local_i >= nd

        @pl.when(is_data)
        def _():
            cp = pltpu.make_async_copy(
                sp_data.at[pl.ds(local_i - sp_base, CHUNK)],
                out_hbm.at[pl.ds(row_out, CHUNK)], csem)
            cp.start() if fire else cp.wait()

        @pl.when(jnp.logical_and(~is_data, is_pad))
        def _():
            cp = pltpu.make_async_copy(sp_pad,
                                       out_hbm.at[pl.ds(row_out, CHUNK)], csem)
            cp.start() if fire else cp.wait()

    for p, chunks in enumerate(PHASE_CHUNKS):
        sp_base = chunks[0] * CHUNK
        rows_p = len(chunks) * CHUNK

        @pl.when(s == 0)
        def _():
            pltpu.async_copy(tshift_hbm.at[pl.ds(i0 + sp_base, rows_p)],
                             sp_data.at[pl.ds(0, rows_p)], stsem)
            if p == 0:
                pltpu.async_copy(pad_hbm, sp_pad, stsem)
                pltpu.make_async_copy(pad_hbm, sp_pad, stsem).wait()
            pltpu.make_async_copy(tshift_hbm.at[pl.ds(i0 + sp_base, rows_p)],
                                  sp_data.at[pl.ds(0, rows_p)], stsem).wait()

        plsc.subcore_barrier()

        def fire_body(k, _, sp_base=sp_base):
            chunk_ops(k, sp_base, fire=True)
            return _

        def drain_body(k, _, sp_base=sp_base):
            chunk_ops(k, sp_base, fire=False)
            return _

        lax.fori_loop(chunks[0], chunks[-1] + 1, fire_body, None)
        lax.fori_loop(chunks[0], chunks[-1] + 1, drain_body, None)

        plsc.subcore_barrier()

    @pl.when(has_bnd)
    def _():
        row_out = row_out0 + kb * CHUNK
        for h in range(CHUNK // HB):
            pltpu.make_async_copy(table_hbm.at[idxs[h]], bufs[h],
                                  gsem).wait()
            pltpu.async_copy(bufs[h], out_hbm.at[pl.ds(row_out + h * HB, HB)],
                             csem)
        for h in range(CHUNK // HB):
            pltpu.make_async_copy(bufs[h],
                                  out_hbm.at[pl.ds(row_out + h * HB, HB)],
                                  csem).wait()


def kernel(input_len, table):
    tshift = lax.slice(table, (1, 0), (MAX_LEN + 1, D))
    pad_blk = jnp.broadcast_to(table[0], (CHUNK, D))
    len_rep = jnp.repeat(input_len, 2 * 16)
    out = _pos_enc_sc(len_rep, table, tshift, pad_blk)
    return out.reshape(B, MAX_LEN, D)

# --- scband reference (transcript-rebuilt; emitter-appended) ---
"""Pipeline reference for scband-pos-encoding-56281251446848 (READ-ONLY COPY).

The authoritative reference and input builder live on the scoring server;
editing this copy changes nothing except your own understanding.
"""

import jax, jax.numpy as jnp
import numpy as np

MAX_SEQ_LEN = 20480
D_WORD_VEC = 1024
MAX_LEN = MAX_SEQ_LEN // 10  # 2048, as in the module: int(max_seq_len / 10)


def _build_pos_enc_table(max_seq_len, d_word_vec):
    # Vectorized but mathematically identical to the original double list-comprehension:
    # pos_enc[pos, j] = pos / 10000^(2*(j//2)/d)
    pos = np.arange(max_seq_len, dtype=np.float64)[:, None]
    j = np.arange(d_word_vec)[None, :]
    pos_enc = pos / np.power(10000.0, 2.0 * (j // 2) / d_word_vec)
    pos_enc[:, 0::2] = np.sin(pos_enc[:, 0::2])
    pos_enc[:, 1::2] = np.cos(pos_enc[:, 1::2])
    pad_row = np.zeros([1, d_word_vec])
    pos_enc = np.concatenate([pad_row, pos_enc]).astype(np.float32)
    return jnp.asarray(pos_enc)  # [max_seq_len + 1, d_word_vec]


def setup_inputs(seed: int = 0) -> dict:
    key = jax.random.key(seed)
    k1, _ = jax.random.split(key)
    input_len = jax.random.randint(k1, (16,), 0, MAX_LEN, dtype=jnp.int32)
    table = _build_pos_enc_table(MAX_SEQ_LEN, D_WORD_VEC)
    return {"input_len": input_len, "table": table}


def reference(input_len, table):
    # positions[b, i] = i+1 if (i+1) <= input_len[b] else 0   (0 indexes the pad row)
    r = jnp.arange(1, MAX_LEN + 1, dtype=jnp.int32)  # [MAX_LEN]
    positions = jnp.where(r[None, :] <= input_len[:, None], r[None, :], 0)  # [B, MAX_LEN]
    # embedding lookup (gather)
    out = jnp.take(table, positions, axis=0)  # [B, MAX_LEN, D_WORD_VEC]
    return out

if __name__ == "__main__":
    import jax
    _d = setup_inputs()
    print(jax.jit(kernel)(*tuple(_d.values())))

</pallas_src>

<mosaic_0001>
#map = affine_map<(d0, d1) -> (0)>
#map1 = affine_map<(d0, d1) -> (0, 0)>
module attributes {stable_mosaic.version = 14 : i64} {
  func.func @_pos_enc_sc(%arg0: i32, %arg1: i32, %arg2: memref<512xi32, #tpu.memory_space<hbm>>, %arg3: memref<20481x1024xf32, #tpu.memory_space<hbm>>, %arg4: memref<2048x1024xf32, #tpu.memory_space<hbm>>, %arg5: memref<64x1024xf32, #tpu.memory_space<hbm>>, %arg6: memref<32768x1024xf32, #tpu.memory_space<hbm>>, %arg7: memref<16xi32, #tpu.memory_space<vmem>>, %arg8: memref<32xi32, #tpu.memory_space<vmem>>, %arg9: memref<32xi32, #tpu.memory_space<vmem>>, %arg10: memref<32x1024xf32, #tpu.memory_space<vmem>>, %arg11: memref<32x1024xf32, #tpu.memory_space<vmem>>, %arg12: memref<896x1024xf32, #tpu.memory_space<vmem_shared>>, %arg13: memref<64x1024xf32, #tpu.memory_space<vmem_shared>>, %arg14: memref<!tpu.dma_semaphore, #tpu.memory_space<semaphore_mem>>, %arg15: memref<!tpu.dma_semaphore, #tpu.memory_space<semaphore_mem>>, %arg16: memref<!tpu.dma_semaphore, #tpu.memory_space<semaphore_mem>>) attributes {dimension_semantics = [#tpu.dimension_semantics<core_parallel>, #tpu.dimension_semantics<subcore_parallel>], iteration_bounds = array<i64: 2, 16>, scalar_prefetch = 0 : i64, scratch_operands = 10 : i64, tpu.core_type = #tpu.core_type<sc_vector_subcore>, window_params = [{transform_indices = #map}, {transform_indices = #map1}, {transform_indices = #map1}, {transform_indices = #map1}, {transform_indices = #map1}]} {
    %mul3A = arith.constant 2 : i32
    %mul3A_0 = arith.muli %arg1, %mul3A : i32
    %add3A = arith.addi %mul3A_0, %arg0 : i32
    %mul3A_1 = arith.constant 1024 : i32
    %mul3A_2 = arith.muli %arg0, %mul3A_1 : i32
    %mul3A_3 = arith.constant 2048 : i32
    %mul3A_4 = arith.muli %arg1, %mul3A_3 : i32
    %add3A_5 = arith.addi %mul3A_4, %mul3A_2 : i32
    %iota3A = tpu.iota {dimensions = array<i32: 0>} : vector<16xi32>
    %mul3A_6 = arith.constant 16 : i32
    %mul3A_7 = arith.muli %add3A, %mul3A_6 : i32
    "tpu.region"() ({
      %run_scoped3A = tpu.sem_alloc : memref<!tpu.dma_semaphore, #tpu.memory_space<semaphore_mem>>
      %dma_start3A = tpu.memref_slice %arg2[%mul3A_7] : memref<512xi32, #tpu.memory_space<hbm>> -> memref<16xi32, #tpu.memory_space<hbm>>
      %dma_start3A_81 = tpu.memref_slice %arg2[%mul3A_7] : memref<512xi32, #tpu.memory_space<hbm>> -> memref<16xi32, #tpu.memory_space<hbm>>
      tpu.enqueue_dma source(%dma_start3A_81 : memref<16xi32, #tpu.memory_space<hbm>>) target(%arg7 : memref<16xi32, #tpu.memory_space<vmem>>) target_semaphore(%run_scoped3A : memref<!tpu.dma_semaphore, #tpu.memory_space<semaphore_mem>>)
      %dma_wait3A = tpu.memref_slice %arg2[%mul3A_7] : memref<512xi32, #tpu.memory_space<hbm>> -> memref<16xi32, #tpu.memory_space<hbm>>
      %dma_wait3A_82 = tpu.memref_slice %arg2[%mul3A_7] : memref<512xi32, #tpu.memory_space<hbm>> -> memref<16xi32, #tpu.memory_space<hbm>>
      tpu.wait_dma2 semaphore(%run_scoped3A : memref<!tpu.dma_semaphore, #tpu.memory_space<semaphore_mem>>) src(%dma_wait3A_82 : memref<16xi32, #tpu.memory_space<hbm>>) dst(%arg7 : memref<16xi32, #tpu.memory_space<vmem>>)
      tpu.yield
    }) : () -> ()
    %get3A = arith.constant 0 : index
    %get3A_8 = tpu.vector_load %arg7[%get3A] {strides = array<i32>} : memref<16xi32, #tpu.memory_space<vmem>>, vector<16xi32>,
    %get3A_9 = vector.shape_cast %get3A_8 : vector<16xi32> to vector<16xi32>
    %slice3A = vector.extract_strided_slice %get3A_9 {offsets = [0], sizes = [1], strides = [1]} : vector<16xi32> to vector<1xi32>
    %squeeze3A = vector.extract %slice3A[0] : i32 from vector<1xi32>
    %sub3A = arith.subi %squeeze3A, %mul3A_2 : i32
    %jit3A = arith.constant 0 : i32
    %jit3A_10 = arith.constant 1024 : i32
    %max3A = arith.maxsi %jit3A, %sub3A : i32
    %min3A = arith.minsi %jit3A_10, %max3A : i32
    %jit3A_11 = arith.constant 64 : i32
    %eq3A = arith.constant 0 : i32
    %eq3A_12 = arith.cmpi eq, %jit3A_11, %eq3A : i32
    %jit3A_13 = arith.constant 1 : i32
    %select_n3A = arith.select %eq3A_12, %jit3A_13, %jit3A_11 : i32
    %rem3A = arith.remsi %min3A, %select_n3A : i32
    %ne3A = arith.constant 0 : i32
    %ne3A_14 = arith.cmpi ne, %rem3A, %ne3A : i32
    %lt3A = arith.constant 0 : i32
    %lt3A_15 = arith.cmpi slt, %rem3A, %lt3A : i32
    %lt3A_16 = arith.constant 0 : i32
    %lt3A_17 = arith.cmpi slt, %select_n3A, %lt3A_16 : i32
    %ne3A_18 = arith.xori %lt3A_15, %lt3A_17 : i1
    %and3A = arith.andi %ne3A_18, %ne3A_14 : i1
    %add3A_19 = arith.addi %rem3A, %select_n3A : i32
    %select_n3A_20 = arith.select %and3A, %add3A_19, %rem3A : i32
    %ne3A_21 = arith.constant 0 : i32
    %ne3A_22 = arith.cmpi ne, %select_n3A_20, %ne3A_21 : i32
    %jit3A_23 = arith.constant 64 : i32
    %div3A = arith.divsi %min3A, %jit3A_23 : i32
    %sign3A = arith.constant 0 : i32
    %sign3A_24 = arith.cmpi sgt, %min3A, %sign3A : i32
    %sign3A_25 = arith.extui %sign3A_24 : i1 to i32
    %sign3A_26 = arith.constant 0 : i32
    %sign3A_27 = arith.cmpi slt, %min3A, %sign3A_26 : i32
    %sign3A_28 = arith.extui %sign3A_27 : i1 to i32
    %sign3A_29 = arith.subi %sign3A_25, %sign3A_28 : i32
    %sign3A_30 = arith.constant 0 : i32
    %sign3A_31 = arith.cmpi sgt, %jit3A_23, %sign3A_30 : i32
    %sign3A_32 = arith.extui %sign3A_31 : i1 to i32
    %sign3A_33 = arith.constant 0 : i32
    %sign3A_34 = arith.cmpi slt, %jit3A_23, %sign3A_33 : i32
    %sign3A_35 = arith.extui %sign3A_34 : i1 to i32
    %sign3A_36 = arith.subi %sign3A_32, %sign3A_35 : i32
    %ne3A_37 = arith.cmpi ne, %sign3A_29, %sign3A_36 : i32
    %rem3A_38 = arith.remsi %min3A, %jit3A_23 : i32
    %ne3A_39 = arith.constant 0 : i32
    %ne3A_40 = arith.cmpi ne, %rem3A_38, %ne3A_39 : i32
    %and3A_41 = arith.andi %ne3A_37, %ne3A_40 : i1
    %sub3A_42 = arith.constant 1 : i32
    %sub3A_43 = arith.subi %div3A, %sub3A_42 : i32
    %select_n3A_44 = arith.select %and3A_41, %sub3A_43, %div3A : i32
    %convert_element_type3A = arith.extui %ne3A_22 : i1 to i32
    %cond3A = arith.constant 0 : i32
    %cond3A_45 = arith.cmpi ne, %convert_element_type3A, %cond3A : i32
    scf.if %cond3A_45 {
      %mul3A_81 = arith.constant 64 : i32
      %mul3A_82 = arith.muli %select_n3A_44, %mul3A_81 : i32
      %add3A_83 = arith.addi %mul3A_2, %mul3A_82 : i32
      %add3A_84 = arith.constant 0 : i32
      %add3A_85 = arith.addi %add3A_83, %add3A_84 : i32
      %add3A_86 = arith.constant 0 : i32
      %add3A_87 = arith.addi %add3A_85, %add3A_86 : i32
      %add3A_88 = vector.broadcast %add3A_87 : i32 to vector<16xi32>
      %add3A_89 = arith.addi %add3A_88, %iota3A : vector<16xi32>
      %lt3A_90 = vector.broadcast %squeeze3A : i32 to vector<16xi32>
      %lt3A_91 = arith.cmpi slt, %add3A_89, %lt3A_90 : vector<16xi32>
      %add3A_92 = arith.constant 1 : i32
      %add3A_93 = vector.broadcast %add3A_92 : i32 to vector<16xi32>
      %add3A_94 = arith.addi %add3A_89, %add3A_93 : vector<16xi32>
      %jit3A_95 = arith.constant 0 : i32
      %broadcast_in_dim3A = vector.broadcast %jit3A_95 : i32 to vector<16xi32>
      %select_n3A_96 = arith.select %lt3A_91, %add3A_94, %broadcast_in_dim3A : vector<16xi1>, vector<16xi32>
      %swap3A = arith.constant 0 : index
      %swap3A_97 = tpu.vector_load %arg8[%swap3A] {strides = array<i32>} : memref<32xi32, #tpu.memory_space<vmem>>, vector<16xi32>,
      %swap3A_98 = vector.shape_cast %swap3A_97 : vector<16xi32> to vector<16xi32>
      %swap3A_99 = vector.shape_cast %select_n3A_96 : vector<16xi32> to vector<16xi32>
      tpu.vector_store %arg8[%swap3A], %swap3A_99 {strides = array<i32>} : memref<32xi32, #tpu.memory_space<vmem>>, vector<16xi32>,
      %mul3A_100 = arith.constant 64 : i32
      %mul3A_101 = arith.muli %select_n3A_44, %mul3A_100 : i32
      %add3A_102 = arith.addi %mul3A_2, %mul3A_101 : i32
      %add3A_103 = arith.constant 0 : i32
      %add3A_104 = arith.addi %add3A_102, %add3A_103 : i32
      %add3A_105 = arith.constant 16 : i32
      %add3A_106 = arith.addi %add3A_104, %add3A_105 : i32
      %add3A_107 = vector.broadcast %add3A_106 : i32 to vector<16xi32>
      %add3A_108 = arith.addi %add3A_107, %iota3A : vector<16xi32>
      %lt3A_109 = vector.broadcast %squeeze3A : i32 to vector<16xi32>
      %lt3A_110 = arith.cmpi slt, %add3A_108, %lt3A_109 : vector<16xi32>
      %add3A_111 = arith.constant 1 : i32
      %add3A_112 = vector.broadcast %add3A_111 : i32 to vector<16xi32>
      %add3A_113 = arith.addi %add3A_108, %add3A_112 : vector<16xi32>
      %jit3A_114 = arith.constant 0 : i32
      %broadcast_in_dim3A_115 = vector.broadcast %jit3A_114 : i32 to vector<16xi32>
      %select_n3A_116 = arith.select %lt3A_110, %add3A_113, %broadcast_in_dim3A_115 : vector<16xi1>, vector<16xi32>
      %swap3A_117 = arith.constant 16 : index
      %swap3A_118 = tpu.vector_load %arg8[%swap3A_117] {strides = array<i32>} : memref<32xi32, #tpu.memory_space<vmem>>, vector<16xi32>,
      %swap3A_119 = vector.shape_cast %swap3A_118 : vector<16xi32> to vector<16xi32>
      %swap3A_120 = vector.shape_cast %select_n3A_116 : vector<16xi32> to vector<16xi32>
      tpu.vector_store %arg8[%swap3A_117], %swap3A_120 {strides = array<i32>} : memref<32xi32, #tpu.memory_space<vmem>>, vector<16xi32>,
      %dma_start3A = arith.constant 0 : i32
      %dma_start3A_121 = arith.constant 0 : i32
      %dma_start3A_122 = tpu.memref_slice %arg3[%dma_start3A, %dma_start3A_121] : memref<20481x1024xf32, #tpu.memory_space<hbm>> -> memref<20481x1024xf32, #tpu.memory_space<hbm>>
      tpu.enqueue_indirect_dma source(%dma_start3A_122 : memref<20481x1024xf32, #tpu.memory_space<hbm>>) target(%arg10 : memref<32x1024xf32, #tpu.memory_space<vmem>>) offsets(%arg8 : memref<32xi32, #tpu.memory_space<vmem>>) semaphore(%arg15 : memref<!tpu.dma_semaphore, #tpu.memory_space<semaphore_mem>>)
      %mul3A_123 = arith.constant 64 : i32
      %mul3A_124 = arith.muli %select_n3A_44, %mul3A_123 : i32
      %add3A_125 = arith.addi %mul3A_2, %mul3A_124 : i32
      %add3A_126 = arith.constant 32 : i32
      %add3A_127 = arith.addi %add3A_125, %add3A_126 : i32
      %add3A_128 = arith.constant 0 : i32
      %add3A_129 = arith.addi %add3A_127, %add3A_128 : i32
      %add3A_130 = vector.broadcast %add3A_129 : i32 to vector<16xi32>
      %add3A_131 = arith.addi %add3A_130, %iota3A : vector<16xi32>
      %lt3A_132 = vector.broadcast %squeeze3A : i32 to vector<16xi32>
      %lt3A_133 = arith.cmpi slt, %add3A_131, %lt3A_132 : vector<16xi32>
      %add3A_134 = arith.constant 1 : i32
      %add3A_135 = vector.broadcast %add3A_134 : i32 to vector<16xi32>
      %add3A_136 = arith.addi %add3A_131, %add3A_135 : vector<16xi32>
      %jit3A_137 = arith.constant 0 : i32
      %broadcast_in_dim3A_138 = vector.broadcast %jit3A_137 : i32 to vector<16xi32>
      %select_n3A_139 = arith.select %lt3A_133, %add3A_136, %broadcast_in_dim3A_138 : vector<16xi1>, vector<16xi32>
      %swap3A_140 = arith.constant 0 : index
      %swap3A_141 = tpu.vector_load %arg9[%swap3A_140] {strides = array<i32>} : memref<32xi32, #tpu.memory_space<vmem>>, vector<16xi32>,
      %swap3A_142 = vector.shape_cast %swap3A_141 : vector<16xi32> to vector<16xi32>
      %swap3A_143 = vector.shape_cast %select_n3A_139 : vector<16xi32> to vector<16xi32>
      tpu.vector_store %arg9[%swap3A_140], %swap3A_143 {strides = array<i32>} : memref<32xi32, #tpu.memory_space<vmem>>, vector<16xi32>,
      %mul3A_144 = arith.constant 64 : i32
      %mul3A_145 = arith.muli %select_n3A_44, %mul3A_144 : i32
      %add3A_146 = arith.addi %mul3A_2, %mul3A_145 : i32
      %add3A_147 = arith.constant 32 : i32
      %add3A_148 = arith.addi %add3A_146, %add3A_147 : i32
      %add3A_149 = arith.constant 16 : i32
      %add3A_150 = arith.addi %add3A_148, %add3A_149 : i32
      %add3A_151 = vector.broadcast %add3A_150 : i32 to vector<16xi32>
      %add3A_152 = arith.addi %add3A_151, %iota3A : vector<16xi32>
      %lt3A_153 = vector.broadcast %squeeze3A : i32 to vector<16xi32>
      %lt3A_154 = arith.cmpi slt, %add3A_152, %lt3A_153 : vector<16xi32>
      %add3A_155 = arith.constant 1 : i32
      %add3A_156 = vector.broadcast %add3A_155 : i32 to vector<16xi32>
      %add3A_157 = arith.addi %add3A_152, %add3A_156 : vector<16xi32>
      %jit3A_158 = arith.constant 0 : i32
      %broadcast_in_dim3A_159 = vector.broadcast %jit3A_158 : i32 to vector<16xi32>
      %select_n3A_160 = arith.select %lt3A_154, %add3A_157, %broadcast_in_dim3A_159 : vector<16xi1>, vector<16xi32>
      %swap3A_161 = arith.constant 16 : index
      %swap3A_162 = tpu.vector_load %arg9[%swap3A_161] {strides = array<i32>} : memref<32xi32, #tpu.memory_space<vmem>>, vector<16xi32>,
      %swap3A_163 = vector.shape_cast %swap3A_162 : vector<16xi32> to vector<16xi32>
      %swap3A_164 = vector.shape_cast %select_n3A_160 : vector<16xi32> to vector<16xi32>
      tpu.vector_store %arg9[%swap3A_161], %swap3A_164 {strides = array<i32>} : memref<32xi32, #tpu.memory_space<vmem>>, vector<16xi32>,
      %dma_start3A_165 = arith.constant 0 : i32
      %dma_start3A_166 = arith.constant 0 : i32
      %dma_start3A_167 = tpu.memref_slice %arg3[%dma_start3A_165, %dma_start3A_166] : memref<20481x1024xf32, #tpu.memory_space<hbm>> -> memref<20481x1024xf32, #tpu.memory_space<hbm>>
      tpu.enqueue_indirect_dma source(%dma_start3A_167 : memref<20481x1024xf32, #tpu.memory_space<hbm>>) target(%arg11 : memref<32x1024xf32, #tpu.memory_space<vmem>>) offsets(%arg9 : memref<32xi32, #tpu.memory_space<vmem>>) semaphore(%arg15 : memref<!tpu.dma_semaphore, #tpu.memory_space<semaphore_mem>>)
    } else {
    }
    %eq3A_46 = arith.constant 0 : i32
    %eq3A_47 = arith.cmpi eq, %arg1, %eq3A_46 : i32
    %convert_element_type3A_48 = arith.extui %eq3A_47 : i1 to i32
    %cond3A_49 = arith.constant 0 : i32
    %cond3A_50 = arith.cmpi ne, %convert_element_type3A_48, %cond3A_49 : i32
    scf.if %cond3A_50 {
      %add3A_81 = arith.constant 0 : i32
      %add3A_82 = arith.addi %mul3A_2, %add3A_81 : i32
      %dma_start3A = arith.constant 0 : i32
      %dma_start3A_83 = arith.constant 0 : i32
      %dma_start3A_84 = tpu.memref_slice %arg12[%dma_start3A, %dma_start3A_83] : memref<896x1024xf32, #tpu.memory_space<vmem_shared>> -> memref<896x1024xf32, #tpu.memory_space<vmem_shared>>
      %dma_start3A_85 = arith.constant 0 : i32
      %dma_start3A_86 = tpu.memref_slice %arg4[%add3A_82, %dma_start3A_85] : memref<2048x1024xf32, #tpu.memory_space<hbm>> -> memref<896x1024xf32, #tpu.memory_space<hbm>>
      tpu.enqueue_dma source(%dma_start3A_86 : memref<896x1024xf32, #tpu.memory_space<hbm>>) target(%dma_start3A_84 : memref<896x1024xf32, #tpu.memory_space<vmem_shared>>) target_semaphore(%arg14 : memref<!tpu.dma_semaphore, #tpu.memory_space<semaphore_mem>>)
      tpu.enqueue_dma source(%arg5 : memref<64x1024xf32, #tpu.memory_space<hbm>>) target(%arg13 : memref<64x1024xf32, #tpu.memory_space<vmem_shared>>) target_semaphore(%arg14 : memref<!tpu.dma_semaphore, #tpu.memory_space<semaphore_mem>>)
      tpu.wait_dma2 semaphore(%arg14 : memref<!tpu.dma_semaphore, #tpu.memory_space<semaphore_mem>>) src(%arg5 : memref<64x1024xf32, #tpu.memory_space<hbm>>) dst(%arg13 : memref<64x1024xf32, #tpu.memory_space<vmem_shared>>)
      %add3A_87 = arith.constant 0 : i32
      %add3A_88 = arith.addi %mul3A_2, %add3A_87 : i32
      %dma_wait3A = arith.constant 0 : i32
      %dma_wait3A_89 = arith.constant 0 : i32
      %dma_wait3A_90 = tpu.memref_slice %arg12[%dma_wait3A, %dma_wait3A_89] : memref<896x1024xf32, #tpu.memory_space<vmem_shared>> -> memref<896x1024xf32, #tpu.memory_space<vmem_shared>>
      %dma_wait3A_91 = arith.constant 0 : i32
      %dma_wait3A_92 = tpu.memref_slice %arg4[%add3A_88, %dma_wait3A_91] : memref<2048x1024xf32, #tpu.memory_space<hbm>> -> memref<896x1024xf32, #tpu.memory_space<hbm>>
      tpu.wait_dma2 semaphore(%arg14 : memref<!tpu.dma_semaphore, #tpu.memory_space<semaphore_mem>>) src(%dma_wait3A_92 : memref<896x1024xf32, #tpu.memory_space<hbm>>) dst(%dma_wait3A_90 : memref<896x1024xf32, #tpu.memory_space<vmem_shared>>)
    } else {
    }
    %barrier3A = arith.constant 0 : index
    tpu.barrier barrier_id(%barrier3A)
    %scan3A = arith.constant 0 : i32
    %scan3A_51 = arith.constant 14 : i32
    %scan3A_52 = arith.addi %scan3A, %scan3A_51 : i32
    %scan3A_53 = arith.constant 1 : i32
    scf.for %scan3A_81 = %scan3A to %scan3A_52 step %scan3A_53  : i32 {
      %mul3A_82 = arith.constant 64 : i32
      %mul3A_83 = arith.muli %scan3A_81, %mul3A_82 : i32
      %add3A_84 = arith.addi %add3A_5, %mul3A_83 : i32
      %add3A_85 = arith.constant 64 : i32
      %add3A_86 = arith.addi %mul3A_83, %add3A_85 : i32
      %le3A = arith.cmpi sle, %add3A_86, %min3A : i32
      %ge3A = arith.cmpi sge, %mul3A_83, %min3A : i32
      %convert_element_type3A_87 = arith.extui %le3A : i1 to i32
      %cond3A_88 = arith.constant 0 : i32
      %cond3A_89 = arith.cmpi ne, %convert_element_type3A_87, %cond3A_88 : i32
      scf.if %cond3A_89 {
        %sub3A_95 = arith.constant 0 : i32
        %sub3A_96 = arith.subi %mul3A_83, %sub3A_95 : i32
        %dma_start3A = arith.constant 0 : i32
        %dma_start3A_97 = tpu.memref_slice %arg6[%add3A_84, %dma_start3A] : memref<32768x1024xf32, #tpu.memory_space<hbm>> -> memref<64x1024xf32, #tpu.memory_space<hbm>>
        %dma_start3A_98 = arith.constant 0 : i32
        %dma_start3A_99 = tpu.memref_slice %arg12[%sub3A_96, %dma_start3A_98] : memref<896x1024xf32, #tpu.memory_space<vmem_shared>> -> memref<64x1024xf32, #tpu.memory_space<vmem_shared>>
        tpu.enqueue_dma source(%dma_start3A_99 : memref<64x1024xf32, #tpu.memory_space<vmem_shared>>) target(%dma_start3A_97 : memref<64x1024xf32, #tpu.memory_space<hbm>>) target_semaphore(%arg16 : memref<!tpu.dma_semaphore, #tpu.memory_space<semaphore_mem>>)
      } else {
      }
      %not3A = arith.constant true
      %not3A_90 = arith.xori %le3A, %not3A : i1
      %and3A_91 = arith.andi %not3A_90, %ge3A : i1
      %convert_element_type3A_92 = arith.extui %and3A_91 : i1 to i32
      %cond3A_93 = arith.constant 0 : i32
      %cond3A_94 = arith.cmpi ne, %convert_element_type3A_92, %cond3A_93 : i32
      scf.if %cond3A_94 {
        %dma_start3A = arith.constant 0 : i32
        %dma_start3A_95 = tpu.memref_slice %arg6[%add3A_84, %dma_start3A] : memref<32768x1024xf32, #tpu.memory_space<hbm>> -> memref<64x1024xf32, #tpu.memory_space<hbm>>
        tpu.enqueue_dma source(%arg13 : memref<64x1024xf32, #tpu.memory_space<vmem_shared>>) target(%dma_start3A_95 : memref<64x1024xf32, #tpu.memory_space<hbm>>) target_semaphore(%arg16 : memref<!tpu.dma_semaphore, #tpu.memory_space<semaphore_mem>>)
      } else {
      }
    }
    %scan3A_54 = arith.constant 14 : i32
    %scan3A_55 = arith.constant 0 : i32
    %scan3A_56 = arith.constant 14 : i32
    %scan3A_57 = arith.addi %scan3A_55, %scan3A_56 : i32
    %scan3A_58 = arith.constant 1 : i32
    scf.for %scan3A_81 = %scan3A_55 to %scan3A_57 step %scan3A_58  : i32 {
      %mul3A_82 = arith.constant 64 : i32
      %mul3A_83 = arith.muli %scan3A_81, %mul3A_82 : i32
      %add3A_84 = arith.addi %add3A_5, %mul3A_83 : i32
      %add3A_85 = arith.constant 64 : i32
      %add3A_86 = arith.addi %mul3A_83, %add3A_85 : i32
      %le3A = arith.cmpi sle, %add3A_86, %min3A : i32
      %ge3A = arith.cmpi sge, %mul3A_83, %min3A : i32
      %convert_element_type3A_87 = arith.extui %le3A : i1 to i32
      %cond3A_88 = arith.constant 0 : i32
      %cond3A_89 = arith.cmpi ne, %convert_element_type3A_87, %cond3A_88 : i32
      scf.if %cond3A_89 {
        %sub3A_95 = arith.constant 0 : i32
        %sub3A_96 = arith.subi %mul3A_83, %sub3A_95 : i32
        %dma_wait3A = arith.constant 0 : i32
        %dma_wait3A_97 = tpu.memref_slice %arg6[%add3A_84, %dma_wait3A] : memref<32768x1024xf32, #tpu.memory_space<hbm>> -> memref<64x1024xf32, #tpu.memory_space<hbm>>
        %dma_wait3A_98 = arith.constant 0 : i32
        %dma_wait3A_99 = tpu.memref_slice %arg12[%sub3A_96, %dma_wait3A_98] : memref<896x1024xf32, #tpu.memory_space<vmem_shared>> -> memref<64x1024xf32, #tpu.memory_space<vmem_shared>>
        tpu.wait_dma2 semaphore(%arg16 : memref<!tpu.dma_semaphore, #tpu.memory_space<semaphore_mem>>) src(%dma_wait3A_99 : memref<64x1024xf32, #tpu.memory_space<vmem_shared>>) dst(%dma_wait3A_97 : memref<64x1024xf32, #tpu.memory_space<hbm>>)
      } else {
      }
      %not3A = arith.constant true
      %not3A_90 = arith.xori %le3A, %not3A : i1
      %and3A_91 = arith.andi %not3A_90, %ge3A : i1
      %convert_element_type3A_92 = arith.extui %and3A_91 : i1 to i32
      %cond3A_93 = arith.constant 0 : i32
      %cond3A_94 = arith.cmpi ne, %convert_element_type3A_92, %cond3A_93 : i32
      scf.if %cond3A_94 {
        %dma_wait3A = arith.constant 0 : i32
        %dma_wait3A_95 = tpu.memref_slice %arg6[%add3A_84, %dma_wait3A] : memref<32768x1024xf32, #tpu.memory_space<hbm>> -> memref<64x1024xf32, #tpu.memory_space<hbm>>
        tpu.wait_dma2 semaphore(%arg16 : memref<!tpu.dma_semaphore, #tpu.memory_space<semaphore_mem>>) src(%arg13 : memref<64x1024xf32, #tpu.memory_space<vmem_shared>>) dst(%dma_wait3A_95 : memref<64x1024xf32, #tpu.memory_space<hbm>>)
      } else {
      }
    }
    %scan3A_59 = arith.constant 14 : i32
    %barrier3A_60 = arith.constant 0 : index
    tpu.barrier barrier_id(%barrier3A_60)
    %eq3A_61 = arith.constant 0 : i32
    %eq3A_62 = arith.cmpi eq, %arg1, %eq3A_61 : i32
    %convert_element_type3A_63 = arith.extui %eq3A_62 : i1 to i32
    %cond3A_64 = arith.constant 0 : i32
    %cond3A_65 = arith.cmpi ne, %convert_element_type3A_63, %cond3A_64 : i32
    scf.if %cond3A_65 {
      %add3A_81 = arith.constant 896 : i32
      %add3A_82 = arith.addi %mul3A_2, %add3A_81 : i32
      %dma_start3A = arith.constant 0 : i32
      %dma_start3A_83 = arith.constant 0 : i32
      %dma_start3A_84 = tpu.memref_slice %arg12[%dma_start3A, %dma_start3A_83] : memref<896x1024xf32, #tpu.memory_space<vmem_shared>> -> memref<128x1024xf32, #tpu.memory_space<vmem_shared>>
      %dma_start3A_85 = arith.constant 0 : i32
      %dma_start3A_86 = tpu.memref_slice %arg4[%add3A_82, %dma_start3A_85] : memref<2048x1024xf32, #tpu.memory_space<hbm>> -> memref<128x1024xf32, #tpu.memory_space<hbm>>
      tpu.enqueue_dma source(%dma_start3A_86 : memref<128x1024xf32, #tpu.memory_space<hbm>>) target(%dma_start3A_84 : memref<128x1024xf32, #tpu.memory_space<vmem_shared>>) target_semaphore(%arg14 : memref<!tpu.dma_semaphore, #tpu.memory_space<semaphore_mem>>)
      %add3A_87 = arith.constant 896 : i32
      %add3A_88 = arith.addi %mul3A_2, %add3A_87 : i32
      %dma_wait3A = arith.constant 0 : i32
      %dma_wait3A_89 = arith.constant 0 : i32
      %dma_wait3A_90 = tpu.memref_slice %arg12[%dma_wait3A, %dma_wait3A_89] : memref<896x1024xf32, #tpu.memory_space<vmem_shared>> -> memref<128x1024xf32, #tpu.memory_space<vmem_shared>>
      %dma_wait3A_91 = arith.constant 0 : i32
      %dma_wait3A_92 = tpu.memref_slice %arg4[%add3A_88, %dma_wait3A_91] : memref<2048x1024xf32, #tpu.memory_space<hbm>> -> memref<128x1024xf32, #tpu.memory_space<hbm>>
      tpu.wait_dma2 semaphore(%arg14 : memref<!tpu.dma_semaphore, #tpu.memory_space<semaphore_mem>>) src(%dma_wait3A_92 : memref<128x1024xf32, #tpu.memory_space<hbm>>) dst(%dma_wait3A_90 : memref<128x1024xf32, #tpu.memory_space<vmem_shared>>)
    } else {
    }
    %barrier3A_66 = arith.constant 0 : index
    tpu.barrier barrier_id(%barrier3A_66)
    %scan3A_67 = arith.constant 14 : i32
    %scan3A_68 = arith.constant 2 : i32
    %scan3A_69 = arith.addi %scan3A_67, %scan3A_68 : i32
    %scan3A_70 = arith.constant 1 : i32
    scf.for %scan3A_81 = %scan3A_67 to %scan3A_69 step %scan3A_70  : i32 {
      %mul3A_82 = arith.constant 64 : i32
      %mul3A_83 = arith.muli %scan3A_81, %mul3A_82 : i32
      %add3A_84 = arith.addi %add3A_5, %mul3A_83 : i32
      %add3A_85 = arith.constant 64 : i32
      %add3A_86 = arith.addi %mul3A_83, %add3A_85 : i32
      %le3A = arith.cmpi sle, %add3A_86, %min3A : i32
      %ge3A = arith.cmpi sge, %mul3A_83, %min3A : i32
      %convert_element_type3A_87 = arith.extui %le3A : i1 to i32
      %cond3A_88 = arith.constant 0 : i32
      %cond3A_89 = arith.cmpi ne, %convert_element_type3A_87, %cond3A_88 : i32
      scf.if %cond3A_89 {
        %sub3A_95 = arith.constant 896 : i32
        %sub3A_96 = arith.subi %mul3A_83, %sub3A_95 : i32
        %dma_start3A = arith.constant 0 : i32
        %dma_start3A_97 = tpu.memref_slice %arg6[%add3A_84, %dma_start3A] : memref<32768x1024xf32, #tpu.memory_space<hbm>> -> memref<64x1024xf32, #tpu.memory_space<hbm>>
        %dma_start3A_98 = arith.constant 0 : i32
        %dma_start3A_99 = tpu.memref_slice %arg12[%sub3A_96, %dma_start3A_98] : memref<896x1024xf32, #tpu.memory_space<vmem_shared>> -> memref<64x1024xf32, #tpu.memory_space<vmem_shared>>
        tpu.enqueue_dma source(%dma_start3A_99 : memref<64x1024xf32, #tpu.memory_space<vmem_shared>>) target(%dma_start3A_97 : memref<64x1024xf32, #tpu.memory_space<hbm>>) target_semaphore(%arg16 : memref<!tpu.dma_semaphore, #tpu.memory_space<semaphore_mem>>)
      } else {
      }
      %not3A = arith.constant true
      %not3A_90 = arith.xori %le3A, %not3A : i1
      %and3A_91 = arith.andi %not3A_90, %ge3A : i1
      %convert_element_type3A_92 = arith.extui %and3A_91 : i1 to i32
      %cond3A_93 = arith.constant 0 : i32
      %cond3A_94 = arith.cmpi ne, %convert_element_type3A_92, %cond3A_93 : i32
      scf.if %cond3A_94 {
        %dma_start3A = arith.constant 0 : i32
        %dma_start3A_95 = tpu.memref_slice %arg6[%add3A_84, %dma_start3A] : memref<32768x1024xf32, #tpu.memory_space<hbm>> -> memref<64x1024xf32, #tpu.memory_space<hbm>>
        tpu.enqueue_dma source(%arg13 : memref<64x1024xf32, #tpu.memory_space<vmem_shared>>) target(%dma_start3A_95 : memref<64x1024xf32, #tpu.memory_space<hbm>>) target_semaphore(%arg16 : memref<!tpu.dma_semaphore, #tpu.memory_space<semaphore_mem>>)
      } else {
      }
    }
    %scan3A_71 = arith.constant 2 : i32
    %scan3A_72 = arith.constant 14 : i32
    %scan3A_73 = arith.constant 2 : i32
    %scan3A_74 = arith.addi %scan3A_72, %scan3A_73 : i32
    %scan3A_75 = arith.constant 1 : i32
    scf.for %scan3A_81 = %scan3A_72 to %scan3A_74 step %scan3A_75  : i32 {
      %mul3A_82 = arith.constant 64 : i32
      %mul3A_83 = arith.muli %scan3A_81, %mul3A_82 : i32
      %add3A_84 = arith.addi %add3A_5, %mul3A_83 : i32
      %add3A_85 = arith.constant 64 : i32
      %add3A_86 = arith.addi %mul3A_83, %add3A_85 : i32
      %le3A = arith.cmpi sle, %add3A_86, %min3A : i32
      %ge3A = arith.cmpi sge, %mul3A_83, %min3A : i32
      %convert_element_type3A_87 = arith.extui %le3A : i1 to i32
      %cond3A_88 = arith.constant 0 : i32
      %cond3A_89 = arith.cmpi ne, %convert_element_type3A_87, %cond3A_88 : i32
      scf.if %cond3A_89 {
        %sub3A_95 = arith.constant 896 : i32
        %sub3A_96 = arith.subi %mul3A_83, %sub3A_95 : i32
        %dma_wait3A = arith.constant 0 : i32
        %dma_wait3A_97 = tpu.memref_slice %arg6[%add3A_84, %dma_wait3A] : memref<32768x1024xf32, #tpu.memory_space<hbm>> -> memref<64x1024xf32, #tpu.memory_space<hbm>>
        %dma_wait3A_98 = arith.constant 0 : i32
        %dma_wait3A_99 = tpu.memref_slice %arg12[%sub3A_96, %dma_wait3A_98] : memref<896x1024xf32, #tpu.memory_space<vmem_shared>> -> memref<64x1024xf32, #tpu.memory_space<vmem_shared>>
        tpu.wait_dma2 semaphore(%arg16 : memref<!tpu.dma_semaphore, #tpu.memory_space<semaphore_mem>>) src(%dma_wait3A_99 : memref<64x1024xf32, #tpu.memory_space<vmem_shared>>) dst(%dma_wait3A_97 : memref<64x1024xf32, #tpu.memory_space<hbm>>)
      } else {
      }
      %not3A = arith.constant true
      %not3A_90 = arith.xori %le3A, %not3A : i1
      %and3A_91 = arith.andi %not3A_90, %ge3A : i1
      %convert_element_type3A_92 = arith.extui %and3A_91 : i1 to i32
      %cond3A_93 = arith.constant 0 : i32
      %cond3A_94 = arith.cmpi ne, %convert_element_type3A_92, %cond3A_93 : i32
      scf.if %cond3A_94 {
        %dma_wait3A = arith.constant 0 : i32
        %dma_wait3A_95 = tpu.memref_slice %arg6[%add3A_84, %dma_wait3A] : memref<32768x1024xf32, #tpu.memory_space<hbm>> -> memref<64x1024xf32, #tpu.memory_space<hbm>>
        tpu.wait_dma2 semaphore(%arg16 : memref<!tpu.dma_semaphore, #tpu.memory_space<semaphore_mem>>) src(%arg13 : memref<64x1024xf32, #tpu.memory_space<vmem_shared>>) dst(%dma_wait3A_95 : memref<64x1024xf32, #tpu.memory_space<hbm>>)
      } else {
      }
    }
    %scan3A_76 = arith.constant 2 : i32
    %barrier3A_77 = arith.constant 0 : index
    tpu.barrier barrier_id(%barrier3A_77)
    %convert_element_type3A_78 = arith.extui %ne3A_22 : i1 to i32
    %cond3A_79 = arith.constant 0 : i32
    %cond3A_80 = arith.cmpi ne, %convert_element_type3A_78, %cond3A_79 : i32
    scf.if %cond3A_80 {
      %mul3A_81 = arith.constant 64 : i32
      %mul3A_82 = arith.muli %select_n3A_44, %mul3A_81 : i32
      %add3A_83 = arith.addi %add3A_5, %mul3A_82 : i32
      %dma_wait3A = arith.constant 0 : i32
      %dma_wait3A_84 = arith.constant 0 : i32
      %dma_wait3A_85 = tpu.memref_slice %arg3[%dma_wait3A, %dma_wait3A_84] : memref<20481x1024xf32, #tpu.memory_space<hbm>> -> memref<20481x1024xf32, #tpu.memory_space<hbm>>
      tpu.wait_indirect_dma semaphore(%arg15 : memref<!tpu.dma_semaphore, #tpu.memory_space<semaphore_mem>>) src(%dma_wait3A_85 : memref<20481x1024xf32, #tpu.memory_space<hbm>>) dst(%arg10 : memref<32x1024xf32, #tpu.memory_space<vmem>>)
      %add3A_86 = arith.constant 0 : i32
      %add3A_87 = arith.addi %add3A_83, %add3A_86 : i32
      %dma_start3A = arith.constant 0 : i32
      %dma_start3A_88 = tpu.memref_slice %arg6[%add3A_87, %dma_start3A] : memref<32768x1024xf32, #tpu.memory_space<hbm>> -> memref<32x1024xf32, #tpu.memory_space<hbm>>
      %dma_start3A_89 = arith.constant 0 : i32
      %dma_start3A_90 = tpu.memref_slice %arg6[%add3A_87, %dma_start3A_89] : memref<32768x1024xf32, #tpu.memory_space<hbm>> -> memref<32x1024xf32, #tpu.memory_space<hbm>>
      tpu.enqueue_dma source(%arg10 : memref<32x1024xf32, #tpu.memory_space<vmem>>) target(%dma_start3A_90 : memref<32x1024xf32, #tpu.memory_space<hbm>>) target_semaphore(%arg16 : memref<!tpu.dma_semaphore, #tpu.memory_space<semaphore_mem>>)
      %dma_wait3A_91 = arith.constant 0 : i32
      %dma_wait3A_92 = arith.constant 0 : i32
      %dma_wait3A_93 = tpu.memref_slice %arg3[%dma_wait3A_91, %dma_wait3A_92] : memref<20481x1024xf32, #tpu.memory_space<hbm>> -> memref<20481x1024xf32, #tpu.memory_space<hbm>>
      tpu.wait_indirect_dma semaphore(%arg15 : memref<!tpu.dma_semaphore, #tpu.memory_space<semaphore_mem>>) src(%dma_wait3A_93 : memref<20481x1024xf32, #tpu.memory_space<hbm>>) dst(%arg11 : memref<32x1024xf32, #tpu.memory_space<vmem>>)
      %add3A_94 = arith.constant 32 : i32
      %add3A_95 = arith.addi %add3A_83, %add3A_94 : i32
      %dma_start3A_96 = arith.constant 0 : i32
      %dma_start3A_97 = tpu.memref_slice %arg6[%add3A_95, %dma_start3A_96] : memref<32768x1024xf32, #tpu.memory_space<hbm>> -> memref<32x1024xf32, #tpu.memory_space<hbm>>
      %dma_start3A_98 = arith.constant 0 : i32
      %dma_start3A_99 = tpu.memref_slice %arg6[%add3A_95, %dma_start3A_98] : memref<32768x1024xf32, #tpu.memory_space<hbm>> -> memref<32x1024xf32, #tpu.memory_space<hbm>>
      tpu.enqueue_dma source(%arg11 : memref<32x1024xf32, #tpu.memory_space<vmem>>) target(%dma_start3A_99 : memref<32x1024xf32, #tpu.memory_space<hbm>>) target_semaphore(%arg16 : memref<!tpu.dma_semaphore, #tpu.memory_space<semaphore_mem>>)
      %add3A_100 = arith.constant 0 : i32
      %add3A_101 = arith.addi %add3A_83, %add3A_100 : i32
      %dma_wait3A_102 = arith.constant 0 : i32
      %dma_wait3A_103 = tpu.memref_slice %arg6[%add3A_101, %dma_wait3A_102] : memref<32768x1024xf32, #tpu.memory_space<hbm>> -> memref<32x1024xf32, #tpu.memory_space<hbm>>
      %dma_wait3A_104 = arith.constant 0 : i32
      %dma_wait3A_105 = tpu.memref_slice %arg6[%add3A_101, %dma_wait3A_104] : memref<32768x1024xf32, #tpu.memory_space<hbm>> -> memref<32x1024xf32, #tpu.memory_space<hbm>>
      tpu.wait_dma2 semaphore(%arg16 : memref<!tpu.dma_semaphore, #tpu.memory_space<semaphore_mem>>) src(%arg10 : memref<32x1024xf32, #tpu.memory_space<vmem>>) dst(%dma_wait3A_105 : memref<32x1024xf32, #tpu.memory_space<hbm>>)
      %add3A_106 = arith.constant 32 : i32
      %add3A_107 = arith.addi %add3A_83, %add3A_106 : i32
      %dma_wait3A_108 = arith.constant 0 : i32
      %dma_wait3A_109 = tpu.memref_slice %arg6[%add3A_107, %dma_wait3A_108] : memref<32768x1024xf32, #tpu.memory_space<hbm>> -> memref<32x1024xf32, #tpu.memory_space<hbm>>
      %dma_wait3A_110 = arith.constant 0 : i32
      %dma_wait3A_111 = tpu.memref_slice %arg6[%add3A_107, %dma_wait3A_110] : memref<32768x1024xf32, #tpu.memory_space<hbm>> -> memref<32x1024xf32, #tpu.memory_space<hbm>>
      tpu.wait_dma2 semaphore(%arg16 : memref<!tpu.dma_semaphore, #tpu.memory_space<semaphore_mem>>) src(%arg11 : memref<32x1024xf32, #tpu.memory_space<vmem>>) dst(%dma_wait3A_111 : memref<32x1024xf32, #tpu.memory_space<hbm>>)
    } else {
    }
    return
  }
}

</mosaic_0001>

<sc_bundles>
// kernel: kernel.3.cloned.1.call-start
scs
__scs_entry_jumppad:
0x0: {  	(pc) =	sbr.rel $0x88, $3  }
0x1: {  	(tag) =	ssettag $0x0;
	lr =	simm.s32 $0x1  }
0x2: {  	[smem:$0x3F9F] =	sst lr;
	_ =	strace $0xD0000000  }
0x3: {  	_ = 	snop  }
0x4: {  	_ = 	snop  }
0x5: {  	_ = 	snop  }
0x6: {  	_ = 	snop  }
0x7: {  	_ = 	snop  }
__scs_overlays_trampoline_lowered:
0x8: {  	[smem:$0x3FAE] =	sst s0  }
0x9: {  	[smem:$0x3FAF] =	sst s1  }
0xa: {  	[smem:$0x3FB0] =	sst s2  }
0xb: {  	[smem:$0x3FB1] =	sst s3  }
0xc: {  	[smem:$0x3FB2] =	sst s4  }
0xd: {  	[smem:$0x3FB3] =	sst s5  }
0xe: {  	[smem:$0x3FB4] =	sst s6  }
0xf: {  	[smem:$0x3FB5] =	sst s7  }
0x10: {  	[smem:$0x3FB6] =	sst s8  }
0x11: {  	[smem:$0x3FB7] =	sst s9;
	s0 =	simm.s32 @!p0 $0x0  }
0x12: {  	s1 =	sld [smem:$0x3F9D];
	s0 =	simm.s32 @p0 $0x1  }
0x13: {  	[smem:$0x3FB8] =	sst s0;
	s0 =	simm.s32 @!p1 $0x0  }
0x14: {  	s2 =	sld [smem:$0x3F9C];
	s0 =	simm.s32 @p1 $0x1  }
0x15: {  	[smem:$0x3FB9] =	sst s0;
	s0 =	simm.s32 @!p2 $0x0  }
0x16: {  	s3 =	sld [smem:$0x3FDB];
	s0 =	simm.s32 @p2 $0x1  }
0x17: {  	s4 =	simm.s32 $0x1BF5;
	[smem:$0x3FBB] =	sst s0  }
0x18: {  	s0 =	sld [smem:$0x3F9E];
	_ =	swait.ge [sflag:s4], $0x0  }
0x19: {  	s7 =	sld [smem:$0x3F9F]  }
0x1a: {  	s8 =	sadd.s32 $0xFFFFE003, lr  }
0x1b: {  	s9 =	sadd.s32 $0xFFFFFEF7, lr;
	s5 =	simm.s32 $0xFFFFFFFF;
	p2 =	slt.u32 s8, $0xFFFFF086  }
0x1c: {  	p1 =	slt.u32 s9, $0xF7A;
	s5 =	simm.s32 @!p2 $0x0  }
0x1d: {  	s5 =	simm.s32 @p1 $0x1;
	p0 =	seq.s32 s7, s2  }
0x1e: {  	s7 =	smul.u32 @!p0 $0xF7A, s2;
	p2 =	seq.s32 @!p0 s5, $0x0  }
0x1f: {  	s9 =	smul.u32 $0xF7A, s1;
	s8 =	simm.s32 @!p0 $0x1BF5;
	p2 =	por !p2, p0  }
0x20: {  	[sflag:s8] =	ssyncset.s32 @!p0 $0xFFFFF086;
	s6 =	sadd.s32 @!p0 s3, s7;
	s7 =	simm.s32 @!p0 $0x108  }
0x21: {  	s3 =	sadd.s32 s3, s9;
	s6 =	sadd.s32 @!p0 $0x88, s6;
	s7 =	simm.s32 @p2 $0x1082  }
0x22: {  	[simem:s7], [sflag:s8] =	dma.local @!p0 [hbm:s6], $0xF7A  }
0x23: {  	s9 =	sor.u32 $0xD0000000, s2;
	s6 =	simm.s32 $0x108;
	_ =	swait.ge @!p0 [sflag:s8], $0x0  }
0x24: {  	s3 =	sadd.s32 $0x88, s3;
	s6 =	simm.s32 @!p1 $0x1082;
	[sflag:s4] =	ssyncset.s32 $0xFFFFF086  }
0x25: {  	[simem:s6], [sflag:s4] =	dma.local [hbm:s3], $0xF7A  }
0x26: {  	[smem:$0x3F9F] =	sst s1;
	(tag) =	ssettag s2;
	_ =	strace s9  }
0x27: {  	s1 =	sld [smem:$0x3FAF]  }
0x28: {  	s2 =	sld [smem:$0x3FB0]  }
0x29: {  	s4 =	sld [smem:$0x3FB2]  }
0x2a: {  	p0 =	seq.s32 s5, $0x0;
	s5 =	sld [smem:$0x3FB3]  }
0x2b: {  	s6 =	sld [smem:$0x3FB4]  }
0x2c: {  	s7 =	sld [smem:$0x3FB5]  }
0x2d: {  	s3 =	simm.s32 $0x108;
	s8 =	sld [smem:$0x3FB6]  }
0x2e: {  	s3 =	simm.s32 @!p0 $0x1082;
	s9 =	sld [smem:$0x3FB7]  }
0x2f: {  	lr =	sadd.s32 s0, s3;
	s0 =	sld [smem:$0x3FAE]  }
0x30: {  	s3 =	sld [smem:$0x3FB1]  }
0x31: {  	[smem:$0x3FBA] =	sst s10  }
0x32: {  	s10 =	sld [smem:$0x3FB8];
	_ =	sdelay $0x3  }
0x33: {  	p0 =	seq.s32 s10, $0x1;
	s10 =	sld [smem:$0x3FBA];
	_ =	sdelay $0x3  }
0x34: {  	[smem:$0x3FBA] =	sst s10  }
0x35: {  	s10 =	sld [smem:$0x3FB9];
	_ =	sdelay $0x3  }
0x36: {  	p1 =	seq.s32 s10, $0x1;
	s10 =	sld [smem:$0x3FBA];
	_ =	sdelay $0x3  }
0x37: {  	[smem:$0x3FBA] =	sst s10  }
0x38: {  	s10 =	sld [smem:$0x3FBB]  }
0x39: {  	_ = 	snop;
	(pc) =	sbr.ind lr, $3  }
0x3a: {  	_ = 	snop  }
0x3b: {  	_ = 	snop  }
0x3c: {  	p2 =	seq.s32 s10, $0x1;
	s10 =	sld [smem:$0x3FBA]  }
0x3d: {  	_ =	shalt  }
0x3e: {  	_ =	shalt  }
0x3f: {  	_ =	shalt  }
0x40: {  	_ =	shalt  }
0x41: {  	_ =	shalt  }
0x42: {  	_ =	shalt  }
0x43: {  	_ =	shalt  }
0x44: {  	_ =	shalt  }
0x45: {  	_ =	shalt  }
0x46: {  	_ =	shalt  }
0x47: {  	_ =	shalt  }
0x48: {  	_ =	shalt  }
0x49: {  	_ =	shalt  }
0x4a: {  	_ =	shalt  }
0x4b: {  	_ =	shalt  }
0x4c: {  	_ =	shalt  }
0x4d: {  	_ =	shalt  }
0x4e: {  	_ =	shalt  }
0x4f: {  	_ =	shalt  }
0x50: {  	_ =	shalt  }
0x51: {  	_ =	shalt  }
0x52: {  	_ =	shalt  }
0x53: {  	_ =	shalt  }
0x54: {  	_ =	shalt  }
0x55: {  	_ =	shalt  }
0x56: {  	_ =	shalt  }
0x57: {  	_ =	shalt  }
0x58: {  	_ =	shalt  }
0x59: {  	_ =	shalt  }
0x5a: {  	_ =	shalt  }
0x5b: {  	_ =	shalt  }
0x5c: {  	_ =	shalt  }
0x5d: {  	_ =	shalt  }
0x5e: {  	_ =	shalt  }
0x5f: {  	_ =	shalt  }
0x60: {  	_ =	shalt  }
0x61: {  	_ =	shalt  }
0x62: {  	_ =	shalt  }
0x63: {  	_ =	shalt  }
0x64: {  	_ =	shalt  }
0x65: {  	_ =	shalt  }
0x66: {  	_ =	shalt  }
0x67: {  	_ =	shalt  }
0x68: {  	_ =	shalt  }
0x69: {  	_ =	shalt  }
0x6a: {  	_ =	shalt  }
0x6b: {  	_ =	shalt  }
0x6c: {  	_ =	shalt  }
0x6d: {  	_ =	shalt  }
0x6e: {  	_ =	shalt  }
0x6f: {  	_ =	shalt  }
0x70: {  	_ =	shalt  }
0x71: {  	_ =	shalt  }
0x72: {  	_ =	shalt  }
0x73: {  	_ =	shalt  }
0x74: {  	_ =	shalt  }
0x75: {  	_ =	shalt  }
0x76: {  	_ =	shalt  }
0x77: {  	_ =	shalt  }
0x78: {  	_ =	shalt  }
0x79: {  	_ =	shalt  }
0x7a: {  	_ =	shalt  }
0x7b: {  	_ =	shalt  }
0x7c: {  	_ =	shalt  }
0x7d: {  	_ =	shalt  }
0x7e: {  	_ =	shalt  }
0x7f: {  	_ =	shalt  }
0x80: {  	_ =	shalt  }
0x81: {  	_ =	shalt  }
0x82: {  	_ =	shalt  }
0x83: {  	_ =	shalt  }
0x84: {  	_ =	shalt  }
0x85: {  	_ =	shalt  }
0x86: {  	_ =	shalt  }
0x87: {  	_ =	shalt  }
.Lfunc_end0:
.L_simem_size_0:
called_computation_lowered:
.L_overlay_start_0:
0x88: {  	s2 =	sld [smem:$0x3FD9]  }
0x89: {  	s3 =	sld [smem:$0x3FFE];
	_ =	sdelay $0x1  }
0x8a: {  	s1 =	srdreg.scid  }
0x8b: {  	s0 =	sand.u32 $0x1, s1  }
0x8c: {  	s17 =	sshll.u32 s0, $0xA;
	s2 =	sadd.s32 s3, s2  }
0x8d: {  	s2 =	sadd.s32 s2, s17  }
0x8e: {  	[smem:$0x3FC6] =	sst s2  }
0x8f: {  	_ = 	snop  }
0x90: {  	s2 =	sld [smem:$0x3FC8]  }
0x91: {  	s18 =	sld [smem:$0x3FD0];
	(tm) =	ssettm $0x1  }
0x92: {  	s4 =	sld [smem:$0x3FFB];
	_ =	sdelay $0x3  }
0x93: {  	_ =	strace s4  }
0x94: {  	s4 =	sld [smem:$0x3FFC];
	_ =	sdelay $0x3  }
0x95: {  	_ =	strace s4  }
0x96: {  	s4 =	sld [smem:$0x3FFD];
	_ =	sdelay $0x3  }
0x97: {  	_ =	strace s4  }
0x98: {  	_ =	strace $0x8FFFFFFF  }
0x99: {  	s19 =	sld [smem:$0x3FDB];
	_ =	sdelay $0x1  }
0x9a: {  	s5 =	simm.s32 $_scs_section_size  }
0x9b: {  	s6 =	simm.s32 $_size__tile_overlayer_lowered;
	s7 =	simm.s32 $_tile_overlayer_lowered  }
0x9c: {  	s22 =	simm.s32 $0x1BFF;
	s21 =	sshll.u32 s7, $0x1;
	s4 =	sadd.s32 s5, s19  }
0x9d: {  	s8 =	simm.s32 $0x0;
	s20 =	sshll.u32 s6, $0x1;
	s6 =	sadd.s32 s21, s4  }
0x9e: {  	[timem:s8], [sflag:s22] =	dma.local [hbm:s6], s20  }
0x9f: {  	_ =	swait.ge [sflag:s22], s20  }
0xa0: {  	s5 =	ssub.s32 $0x0, s20;
	[sflag:s22] =	ssyncset.done $0x0  }
0xa1: {  	[sflag:s22] =	ssyncadd.s32 s5;
	_ =	sdelay $0x1  }
0xa2: {  	s23 =	simm.s32 $0x1B8B  }
0xa3: {  	_ =	swait.ge [sflag:s23], $0x1  }
0xa4: {  	[sflag:s23] =	ssyncset.done $0x0  }
0xa5: {  	s25 =	simm.s32 $0x1B8E;
	s24 =	sld [smem:$0x3FFE];
	[sflag:s23] =	ssyncadd.s32 $0xFFFFFFFF  }
0xa6: {  	s26 =	simm.s32 $execute0_lowered;
	[smem:$0x3FD2] =	sst s25  }
0xa7: {  	s6 =	sshll.u32 s26, $0x1;
	_ =	strace $0x80000046;
	[dreg:$0x1] =	wrdreg $0xFFFFFFFF  }
0xa8: {  	s28 =	simm.s32 $_size_execute0_lowered;
	s4 =	sadd.s32 s4, s6;
	[dreg:$0x0] =	wrdreg $0x0  }
0xa9: {  	s6 =	sshll.u32 s28, $0x1;
	[dreg:$0x2] =	wrdreg s4  }
0xaa: {  	[dreg:$0x3] =	wrdreg s6  }
0xab: {  	[dreg:$0x4] =	wrdreg $0xC0  }
0xac: {  	_ =	task [dreg:s8], $0x5FFFF  }
0xad: {  	[dreg:$0x1] =	wrdreg $0xFFFFFFFF  }
0xae: {  	[dreg:$0x0] =	wrdreg $0x60  }
0xaf: {  	[dreg:$0x2] =	wrdreg s24  }
0xb0: {  	[dreg:$0x3] =	wrdreg s2  }
0xb1: {  	[dreg:$0x4] =	wrdreg s18  }
0xb2: {  	[dreg:$0x5] =	wrdreg $0x101800  }
0xb3: {  	[dreg:$0x6] =	wrdreg $0x1E1800  }
0xb4: {  	[dreg:$0x7] =	wrdreg $0x9  }
0xb5: {  	_ =	task.clear_ibuf [dreg:s8], $0x8FFFF;
	_ =	strace $0x90000046  }
0xb6: {  	s29 =	simm.s32 $0x9;
	_ =	strace $0x80000048  }
0xb7: {  	_ =	swait.ge [sflag:s29], $0x1  }
0xb8: {  	[sflag:s29] =	ssyncadd.s32 $0xFFFFFFFF  }
0xb9: {  	_ =	strace $0x90000048  }
0xba: {  	_ =	sfence  }
0xbb: {  	s30 =	sld [smem:$0x0];
	_ =	sdelay $0x2  }
0xbc: {  	s31 =	sshll.u32 s1, $0xD;
	s1 =	sshrl.u32 s1, $0x2  }
0xbd: {  	s3 =	sand.u32 $0x4000, s31;
	s1 =	sadd.s32 s1, s30  }
0xbe: {  	s0 =	sor.u32 s3, s0;
	s1 =	sshll.u32 s1, $0x11  }
0xbf: {  	s0 =	sor.u32 s1, s0  }
0xc0: {  	s0 =	sadd.s32 $0x8F2B, s0  }
0xc1: {  	[sflag:s0] =	ssyncadd.remote.s32 $0x1  }
0xc2: {  	_ =	sfence.sel $0xFFFF  }
0xc3: {  	[dreg:$0x0] =	wrdreg $0xFFFFFFFF;
	(pc) =	sbr.abs _section_cstart, $3  }
0xc4: {  	[dreg:$0x1] =	wrdreg $0xFFFFFFFF  }
0xc5: {  	_ =	task.clear_ibuf [dreg:s8], $0x2FFFF;
	_ =	strace $0x9FFFFFFF  }
0xc6: {  	(tm) =	ssettm $0x7FFFFFFF  }
0xc7: {  	_ =	shalt  }
tec
execute0_lowered:
.L_overlay_start_1:
0x0: {  	(tag) =	ssettag $0x1  }
0x1: {  	s0 =	rddreg [dreg:$0x0]  }
0x2: {  	s1 =	rddreg [dreg:$0x1]  }
0x3: {  	s2 =	rddreg [dreg:$0x2]  }
0x4: {  	s22 =	rddreg [dreg:$0x3]  }
0x5: {  	s4 =	rddreg [dreg:$0x4];
	s3 =	srdreg.scid  }
0x6: {  	s5 =	simm.s32 $0x0;
	s21 =	simm.s32 $0x4;
	s24 =	simm.s32 $0x3  }
0x7: {  	s3 =	sand.u32 $0x1, s3;
	[smem:$0x7FF] =	sst s5;
	s7 =	sadd.s32 $0x40600, s0  }
0x8: {  	s12 =	sadd.s32 $0x300, s1;
	s16 =	sadd.s32 $0x1000, s2;
	s23 =	sadd.s32 $0x10000, s22  }
0x9: {  	s6 =	sshll.u32 s3, $0x1;
	_ =	strace $0x80000047;
	s20 =	sshll.u32 s3, $0x11  }
0xa: {  	s9 =	ssub.s32 $0x2, s3;
	s31 =	sshrl.u32 s23, $0x3;
	s8 =	sadd.s32 s6, s0  }
0xb: {  	s6 =	stileid.u32;
	s14 =	sadd.s32 s20, s0;
	s10 =	sshrl.u32 s9, $0x1  }
0xc: {  	[dreg:$0x6] =	wrdreg s31;
	s11 =	sshll.u32 s6, $0x2;
	s26 =	ssub.s32 s9, s10  }
0xd: {  	s10 =	sadd.s32 $0x100, s1;
	s29 =	sshll.u32 s6, $0x12;
	s13 =	sadd.s32 $0x400, s14  }
.Ltmp0:
0xe: {  	s14 =	sadd.s32 $0x1C400, s14;
	p0 =	sne.s32 s6, $0x0;
	(pc) =	sbr.rel .LBB2_1-.Ltmp0, $4  }
0xf: {  	s28 =	sadd.s32 s11, s8;
	s8 =	sshll.u32 s3, $0xA;
	s11 =	sadd.s32 $0x200, s1  }
0x10: {  	v0 =	vlaneseq.u32;
	s15 =	sor.u32 s20, s29;
	s17 =	smax.u32 s26, $0x1;
	s3 =	sadd.s32 s29, s2  }
0x11: {  	vm0 =	vmmov $0xffff;
	v1 =	vadd.s32 $0x1, v0;
	v3 =	vshrl.u32 v0, $0x3;
	s26 =	simm.s32 $0x0;
	s9 =	sadd.s32 $0x40400, s28;
	s30 =	sadd.s32 s15, s2  }
0x12: {  	v2 =	vand.u32 $0x7, v0;
	v4 =	vor.u32 $0x8, v0;
	v3 =	vmul.u32 $0x8, v3;
	s25 =	sadd.s32 s20, s3;
	s18 =	sadd.s32 $0x1C000, s30;
	s19 =	sadd.s32 $0x1E000, s30  }
.LBB2_12:
0x13: {  	s2 =	rddreg [dreg:$0x6]  }
0x14: {  	[hbm:s19], [sflag:s0] =	dma.local [spmem:s2], $0x2000  }
.LBB2_17:
0x15: {  	_ =	swait.ge [sflag:s24], $0x2000  }
0x16: {  	[sflag:s24] =	ssyncset.done $0x0  }
0x17: {  	[sflag:s24] =	ssyncadd.s32 $0xFFFFE000  }
.LBB2_18:
0x18: {  	_ =	swait.ge [sflag:s24], $0x2000  }
0x19: {  	[sflag:s24] =	ssyncset.done $0x0  }
0x1a: {  	[sflag:s24] =	ssyncadd.s32 $0xFFFFE000  }
.LBB2_19:
0x1b: {  	[bflag:$0x0] =	sbarrier.arrive $0xFFFF;
	s0 =	simm.s32 @!p1 $0x2  }
0x1c: {  	_ =	swait.ge @!p1 [sflag:s0], $0x8000  }
0x1d: {  	[sflag:s0] =	ssyncset.done @!p1 $0x0  }
0x1e: {  	s2 =	sshll.u32 @!p1 s28, $0xD;
	[sflag:s0] =	ssyncadd.s32 @!p1 $0xFFFF8000  }
0x1f: {  	s2 =	sadd.s32 @!p1 s15, s2;
	s3 =	rddreg [dreg:$0x2]  }
0x20: {  	s20 =	simm.s32 @!p1 $0x0;
	s23 =	simm.s32 @!p1 $0x180;
	s3 =	sadd.s32 @!p1 s3, s2  }
0x21: {  	[hbm4b:s3+s20] =	stream.linear.scatter @!p1 [tilespmem:s23], [sflag:$0x3], $0x8000, $0x38;
	[tilespmem:$0x1F180] =	vst v63  }
0x22: {  	_ =	swait.ge @!p1 [sflag:s0], $0x8000  }
0x23: {  	s2 =	sand.u32 @!p1 $0x1FFFE000, s2;
	[sflag:s0] =	ssyncset.done @!p1 $0x0  }
0x24: {  	[sflag:s0] =	ssyncadd.s32 @!p1 $0xFFFF8000;
	s0 =	sadd.s32 @!p1 s2, s16;
	s2 =	simm.s32 @!p1 $0x8180  }
0x25: {  	[hbm4b:s0+s20] =	stream.linear.scatter @!p1 [tilespmem:s2], [sflag:$0x3], $0x8000, $0x38;
	[tilespmem:$0x1F180] =	vst v63  }
0x26: {  	s26 =	sadd.s32 $0x1, s26;
	s0 =	simm.s32 @!p1 $0x3  }
0x27: {  	p2 =	sne.s32 s26, s17;
	_ =	swait.ge @!p1 [sflag:s0], $0x8000  }
.Ltmp1:
0x28: {  	[sflag:s0] =	ssyncset.done @!p1 $0x0;
	(pc) =	sbr.rel @!p2 .LBB2_20-.Ltmp1, $4  }
0x29: {  	[sflag:s0] =	ssyncadd.s32 @!p1 $0xFFFF8000  }
0x2a: {  	_ =	swait.ge @!p1 [sflag:s0], $0x8000  }
0x2b: {  	[sflag:s0] =	ssyncset.done @!p1 $0x0  }
0x2c: {  	[sflag:s0] =	ssyncadd.s32 @!p1 $0xFFFF8000  }
.LBB2_1:
0x2d: {  	[tilespmem:s5], [sflag:$0x4] =	stream.linear.gather [hbm4b:s9+s5], $0x10, $0x38;
	[tilespmem:$0x1F180] =	vst v63  }
0x2e: {  	_ =	swait.ge [sflag:s21], $0x10  }
0x2f: {  	[sflag:s21] =	ssyncset.done $0x0  }
0x30: {  	[sflag:s21] =	ssyncadd.s32 $0xFFFFFFF0  }
0x31: {  	v5 =	vld [tilespmem:$0x0];
	_ =	sdelay $0x4  }
0x32: {  	(v2sf) =	vpush v5, $0x0;
	_ =	sdelay $0xe  }
0x33: {  	s0 =	spop (v2sf)  }
0x34: {  	s29 =	ssub.s32 s0, s8  }
0x35: {  	p1 =	sgt.s32 s29, $0x0;
	s0 =	smov.u32 s29  }
0x36: {  	s0 =	simm.s32 @!p1 $0x0  }
0x37: {  	s30 =	smin.u32 s0, $0x400  }
0x38: {  	s0 =	sand.u32 $0x3F, s30  }
0x39: {  	p2 =	slt.s32 s29, $0x1;
	p6 =	sne.s32 s0, $0x0  }
0x3a: {  	p1 =	por !p2, !p6  }
0x3b: {  	p2 =	por !p1, !p1;
	p1 =	seq.s32 s0, $0x0  }
.Ltmp2:
0x3c: {  	_ = 	snop;
	(pc) =	sbr.rel @p1 .LBB2_3-.Ltmp2, $4  }
0x3d: {  	_ = 	snop  }
0x3e: {  	s3 =	simm.s32 $0x1  }
0x3f: {  	s31 =	sshrl.u32 s30, $0x6;
	s3 =	simm.s32 @!p2 $0x0  }
0x40: {  	s28 =	ssub.s32 s31, s3  }
0x41: {  	s0 =	sshll.u32 s28, $0x6  }
0x42: {  	v5 =	vbroadcast v5, $0x0;
	s0 =	sadd.s32 s8, s0  }
0x43: {  	v6 =	vor.u32 s0, v0  }
0x44: {  	vm1 =	vlt.s32 v6, v5;
	v6 =	vor.u32 s0, v1  }
0x45: {  	v6 =	vnsel vm1, $0x0, v6  }
0x46: {  	v7 =	vshll.u32 v6, $0x3  }
0x47: {  	v8 =	vand.u32 $0x7, v6;
	v7 =	vand.u32 $0xFFFFFFC0, v7  }
0x48: {  	v7 =	vor.u32 v8, v7  }
0x49: {  	v8 =	vperm.xlane v7, v2;
	_ =	sdelay $0x1  }
0x4a: {  	s3 =	sor.u32 $0x10, s0;
	v8 =	vadd.s32 v3, v8  }
0x4b: {  	v9 =	vor.u32 s3, v0  }
0x4c: {  	v60 =	vadd.s32 s3, v1;
	vm1 =	vlt.s32 v9, v5  }
0x4d: {  	[tilespmem:$0x80] =	vst v6;
	v6 =	vnsel vm1, $0x0, v60  }
0x4e: {  	s2 =	simm.s32 $0x180;
	[tilespmem:$0x90] =	vst v6  }
0x4f: {  	[tilespmem:s2], [sflag:$0x2] =	stream.indirect_vreg.gather [hbm4b:s1+s5], $0x80, v8, vm0, $0xb8;
	[tilespmem:$0x1F180] =	vst v63  }
0x50: {  	s31 =	simm.s32 $0x980;
	v6 =	vperm.xlane v7, v4  }
0x51: {  	[tilespmem:s31], [sflag:$0x2] =	stream.indirect_vreg.gather [hbm4b:s10+s5], $0x80, v8, vm0, $0xb8;
	[tilespmem:$0x1F180] =	vst v63  }
0x52: {  	s3 =	simm.s32 $0x1180;
	v6 =	vadd.s32 v3, v6  }
0x53: {  	[tilespmem:s3], [sflag:$0x2] =	stream.indirect_vreg.gather [hbm4b:s11+s5], $0x80, v8, vm0, $0xb8;
	[tilespmem:$0x1F180] =	vst v63  }
0x54: {  	s20 =	simm.s32 $0x1980  }
0x55: {  	[tilespmem:s20], [sflag:$0x2] =	stream.indirect_vreg.gather [hbm4b:s12+s5], $0x80, v8, vm0, $0xb8;
	[tilespmem:$0x1F180] =	vst v63  }
0x56: {  	s23 =	simm.s32 $0x2180  }
0x57: {  	[tilespmem:s23], [sflag:$0x2] =	stream.indirect_vreg.gather [hbm4b:s1+s5], $0x80, v6, vm0, $0xb8;
	[tilespmem:$0x1F180] =	vst v63  }
0x58: {  	s31 =	simm.s32 $0x2980  }
0x59: {  	[tilespmem:s31], [sflag:$0x2] =	stream.indirect_vreg.gather [hbm4b:s10+s5], $0x80, v6, vm0, $0xb8;
	[tilespmem:$0x1F180] =	vst v63  }
0x5a: {  	s3 =	simm.s32 $0x3180  }
0x5b: {  	[tilespmem:s3], [sflag:$0x2] =	stream.indirect_vreg.gather [hbm4b:s11+s5], $0x80, v6, vm0, $0xb8;
	[tilespmem:$0x1F180] =	vst v63  }
0x5c: {  	s20 =	simm.s32 $0x3980  }
0x5d: {  	[tilespmem:s20], [sflag:$0x2] =	stream.indirect_vreg.gather [hbm4b:s12+s5], $0x80, v6, vm0, $0xb8;
	[tilespmem:$0x1F180] =	vst v63  }
0x5e: {  	v6 =	vld [tilespmem:$0x90];
	_ =	sdelay $0x4  }
0x5f: {  	v7 =	vshll.u32 v6, $0x3  }
0x60: {  	v6 =	vand.u32 $0x7, v6;
	v7 =	vand.u32 $0xFFFFFFC0, v7  }
0x61: {  	v6 =	vor.u32 v6, v7  }
0x62: {  	v7 =	vperm.xlane v6, v2;
	_ =	sdelay $0x1  }
0x63: {  	v7 =	vadd.s32 v3, v7;
	_ =	sdelay $0x3  }
0x64: {  	s23 =	simm.s32 $0x4180  }
0x65: {  	[tilespmem:s23], [sflag:$0x2] =	stream.indirect_vreg.gather [hbm4b:s1+s5], $0x80, v7, vm0, $0xb8;
	[tilespmem:$0x1F180] =	vst v63  }
0x66: {  	s31 =	simm.s32 $0x4980;
	v6 =	vperm.xlane v6, v4  }
0x67: {  	[tilespmem:s31], [sflag:$0x2] =	stream.indirect_vreg.gather [hbm4b:s10+s5], $0x80, v7, vm0, $0xb8;
	[tilespmem:$0x1F180] =	vst v63  }
0x68: {  	s3 =	simm.s32 $0x5180;
	s20 =	sor.u32 $0x20, s0;
	v6 =	vadd.s32 v3, v6  }
0x69: {  	v61 =	vor.u32 s20, v0;
	[tilespmem:s3], [sflag:$0x2] =	stream.indirect_vreg.gather [hbm4b:s11+s5], $0x80, v7, vm0, $0xb8;
	[tilespmem:$0x1F180] =	vst v63  }
0x6a: {  	v62 =	vor.u32 s20, v1;
	vm1 =	vlt.s32 v61, v5;
	s23 =	simm.s32 $0x5980  }
0x6b: {  	[tilespmem:s23], [sflag:$0x2] =	stream.indirect_vreg.gather [hbm4b:s12+s5], $0x80, v7, vm0, $0xb8;
	v7 =	vnsel vm1, $0x0, v62;
	[tilespmem:$0x1F180] =	vst v63  }
0x6c: {  	s31 =	simm.s32 $0x6180;
	v63 =	vshll.u32 v7, $0x3  }
0x6d: {  	v9 =	vand.u32 $0x7, v7;
	[tilespmem:s31], [sflag:$0x2] =	stream.indirect_vreg.gather [hbm4b:s1+s5], $0x80, v6, vm0, $0xb8;
	v8 =	vand.u32 $0xFFFFFFC0, v63;
	[tilespmem:$0x1F180] =	vst v63  }
0x6e: {  	s3 =	simm.s32 $0x6980;
	v8 =	vor.u32 v9, v8  }
0x6f: {  	[tilespmem:s3], [sflag:$0x2] =	stream.indirect_vreg.gather [hbm4b:s10+s5], $0x80, v6, vm0, $0xb8;
	v9 =	vperm.xlane v8, v2;
	[tilespmem:$0x1F180] =	vst v63  }
0x70: {  	s0 =	sor.u32 $0x30, s0;
	s20 =	simm.s32 $0x7180  }
0x71: {  	[tilespmem:s20], [sflag:$0x2] =	stream.indirect_vreg.gather [hbm4b:s11+s5], $0x80, v6, vm0, $0xb8;
	v9 =	vadd.s32 v3, v9;
	[tilespmem:$0x1F180] =	vst v63  }
0x72: {  	v10 =	vor.u32 s0, v0;
	s23 =	simm.s32 $0x7980  }
0x73: {  	v11 =	vadd.s32 s0, v1;
	vm1 =	vlt.s32 v10, v5;
	[tilespmem:s23], [sflag:$0x2] =	stream.indirect_vreg.gather [hbm4b:s12+s5], $0x80, v6, vm0, $0xb8;
	[tilespmem:$0x1F180] =	vst v63  }
0x74: {  	v5 =	vnsel vm1, $0x0, v11;
	[tilespmem:$0x100] =	vst v7  }
0x75: {  	s31 =	simm.s32 $0x8180;
	[tilespmem:$0x110] =	vst v5  }
0x76: {  	[tilespmem:s31], [sflag:$0x2] =	stream.indirect_vreg.gather [hbm4b:s1+s5], $0x80, v9, vm0, $0xb8;
	[tilespmem:$0x1F180] =	vst v63  }
0x77: {  	s2 =	simm.s32 $0x8980;
	v5 =	vperm.xlane v8, v4  }
0x78: {  	[tilespmem:s2], [sflag:$0x2] =	stream.indirect_vreg.gather [hbm4b:s10+s5], $0x80, v9, vm0, $0xb8;
	[tilespmem:$0x1F180] =	vst v63  }
0x79: {  	s3 =	simm.s32 $0x9180;
	v5 =	vadd.s32 v3, v5  }
0x7a: {  	[tilespmem:s3], [sflag:$0x2] =	stream.indirect_vreg.gather [hbm4b:s11+s5], $0x80, v9, vm0, $0xb8;
	[tilespmem:$0x1F180] =	vst v63  }
0x7b: {  	s20 =	simm.s32 $0x9980  }
0x7c: {  	[tilespmem:s20], [sflag:$0x2] =	stream.indirect_vreg.gather [hbm4b:s12+s5], $0x80, v9, vm0, $0xb8;
	[tilespmem:$0x1F180] =	vst v63  }
0x7d: {  	s23 =	simm.s32 $0xA180  }
0x7e: {  	[tilespmem:s23], [sflag:$0x2] =	stream.indirect_vreg.gather [hbm4b:s1+s5], $0x80, v5, vm0, $0xb8;
	[tilespmem:$0x1F180] =	vst v63  }
0x7f: {  	s31 =	simm.s32 $0xA980  }
0x80: {  	[tilespmem:s31], [sflag:$0x2] =	stream.indirect_vreg.gather [hbm4b:s10+s5], $0x80, v5, vm0, $0xb8;
	[tilespmem:$0x1F180] =	vst v63  }
0x81: {  	s2 =	simm.s32 $0xB180  }
0x82: {  	[tilespmem:s2], [sflag:$0x2] =	stream.indirect_vreg.gather [hbm4b:s11+s5], $0x80, v5, vm0, $0xb8;
	[tilespmem:$0x1F180] =	vst v63  }
0x83: {  	s3 =	simm.s32 $0xB980  }
0x84: {  	[tilespmem:s3], [sflag:$0x2] =	stream.indirect_vreg.gather [hbm4b:s12+s5], $0x80, v5, vm0, $0xb8;
	[tilespmem:$0x1F180] =	vst v63  }
0x85: {  	v5 =	vld [tilespmem:$0x110];
	_ =	sdelay $0x4  }
0x86: {  	v6 =	vshll.u32 v5, $0x3  }
0x87: {  	v5 =	vand.u32 $0x7, v5;
	v6 =	vand.u32 $0xFFFFFFC0, v6  }
0x88: {  	v5 =	vor.u32 v5, v6  }
0x89: {  	v6 =	vperm.xlane v5, v2;
	_ =	sdelay $0x1  }
0x8a: {  	v6 =	vadd.s32 v3, v6;
	_ =	sdelay $0x3  }
0x8b: {  	s20 =	simm.s32 $0xC180  }
0x8c: {  	[tilespmem:s20], [sflag:$0x2] =	stream.indirect_vreg.gather [hbm4b:s1+s5], $0x80, v6, vm0, $0xb8;
	[tilespmem:$0x1F180] =	vst v63  }
0x8d: {  	s23 =	simm.s32 $0xC980;
	v5 =	vperm.xlane v5, v4  }
0x8e: {  	[tilespmem:s23], [sflag:$0x2] =	stream.indirect_vreg.gather [hbm4b:s10+s5], $0x80, v6, vm0, $0xb8;
	[tilespmem:$0x1F180] =	vst v63  }
0x8f: {  	s31 =	simm.s32 $0xD180;
	v5 =	vadd.s32 v3, v5  }
0x90: {  	[tilespmem:s31], [sflag:$0x2] =	stream.indirect_vreg.gather [hbm4b:s11+s5], $0x80, v6, vm0, $0xb8;
	[tilespmem:$0x1F180] =	vst v63  }
0x91: {  	s2 =	simm.s32 $0xD980  }
0x92: {  	[tilespmem:s2], [sflag:$0x2] =	stream.indirect_vreg.gather [hbm4b:s12+s5], $0x80, v6, vm0, $0xb8;
	[tilespmem:$0x1F180] =	vst v63  }
0x93: {  	s3 =	simm.s32 $0xE180  }
0x94: {  	[tilespmem:s3], [sflag:$0x2] =	stream.indirect_vreg.gather [hbm4b:s1+s5], $0x80, v5, vm0, $0xb8;
	[tilespmem:$0x1F180] =	vst v63  }
0x95: {  	s20 =	simm.s32 $0xE980  }
0x96: {  	[tilespmem:s20], [sflag:$0x2] =	stream.indirect_vreg.gather [hbm4b:s10+s5], $0x80, v5, vm0, $0xb8;
	[tilespmem:$0x1F180] =	vst v63  }
0x97: {  	s23 =	simm.s32 $0xF180  }
0x98: {  	[tilespmem:s23], [sflag:$0x2] =	stream.indirect_vreg.gather [hbm4b:s11+s5], $0x80, v5, vm0, $0xb8;
	[tilespmem:$0x1F180] =	vst v63  }
0x99: {  	s31 =	simm.s32 $0xF980  }
0x9a: {  	[tilespmem:s31], [sflag:$0x2] =	stream.indirect_vreg.gather [hbm4b:s12+s5], $0x80, v5, vm0, $0xb8;
	[tilespmem:$0x1F180] =	vst v63  }
.LBB2_3:
0x9b: {  	s31 =	sshrl.u32 @!p0 s22, $0x3;
	s0 =	simm.s32 @!p0 $0x1C01;
	s3 =	sshrl.u32 @!p0 s4, $0x3  }
0x9c: {  	[spmem:s31], [sflag:s0] =	dma.local @!p0 [hbm:s13], $0x1C000  }
0x9d: {  	[spmem:s3], [sflag:s0] =	dma.local @!p0 [hbm:s7], $0x2000  }
0x9e: {  	s0 =	simm.s32 @!p0 $0x1  }
0x9f: {  	_ =	swait.ge @!p0 [sflag:s0], $0x2000  }
0xa0: {  	[sflag:s0] =	ssyncset.done @!p0 $0x0  }
0xa1: {  	[sflag:s0] =	ssyncadd.s32 @!p0 $0xFFFFE000  }
.Ltmp3:
0xa2: {  	_ =	swait.ge @!p0 [sflag:s0], $0x1C000;
	(pc) =	sbr.rel .LBB2_4-.Ltmp3, $4  }
0xa3: {  	[sflag:s0] =	ssyncset.done @!p0 $0x0  }
0xa4: {  	[sflag:s0] =	ssyncadd.s32 @!p0 $0xFFFE4000  }
0xa5: {  	[bflag:$0x0] =	sbarrier.arrive $0xFFFF  }
0xa6: {  	s20 =	smov.u32 s25;
	s3 =	smov.u32 s22;
	s0 =	simm.s32 $0x40  }
.LBB2_6:
0xa7: {  	s0 =	sadd.s32 $0x40, s0  }
0xa8: {  	p2 =	sne.s32 s0, $0x3C0  }
.Ltmp4:
0xa9: {  	_ = 	snop;
	(pc) =	sbr.rel @!p2 .LBB2_7-.Ltmp4, $2  }
0xaa: {  	_ =	sdelay $0x2  }
0xab: {  	s3 =	sadd.s32 $0x10000, s3;
	s20 =	sadd.s32 $0x2000, s20  }
.LBB2_4:
0xac: {  	s23 =	sadd.s32 $0xFFFFFFC0, s0;
	p2 =	sle.u32 s0, s30  }
0xad: {  	p3 =	slt.u32 @!p2 s23, s30  }
0xae: {  	p3 =	por p2, !p3  }
.Ltmp5:
0xaf: {  	_ = 	snop;
	(pc) =	sbr.rel @!p3 .LBB2_6-.Ltmp5, $1  }
0xb0: {  	_ =	sdelay $0x3  }
.Ltmp6:
0xb1: {  	(pc) =	sbr.rel .LBB2_6-.Ltmp6, $4  }
0xb2: {  	s23 =	smov.u32 s4  }
0xb3: {  	s2 =	sshll.u32 s6, $0x6;
	s23 =	smov.u32 @p2 s3  }
0xb4: {  	s2 =	sor.u32 $0x1C03, s2;
	s23 =	sshrl.u32 s23, $0x3  }
0xb5: {  	[hbm:s20], [sflag:s2] =	dma.local [spmem:s23], $0x2000  }
.LBB2_7:
0xb6: {  	s0 =	simm.s32 $0x40  }
.LBB2_8:
0xb7: {  	s2 =	sadd.s32 $0xFFFFFFC0, s0;
	p2 =	sle.u32 s0, s30  }
0xb8: {  	p3 =	slt.u32 @!p2 s2, s30  }
0xb9: {  	p2 =	por p2, !p3  }
0xba: {  	_ =	swait.ge @p2 [sflag:s24], $0x2000  }
0xbb: {  	s0 =	sadd.s32 $0x40, s0;
	[sflag:s24] =	ssyncset.done @p2 $0x0  }
0xbc: {  	[sflag:s24] =	ssyncadd.s32 @p2 $0xFFFFE000;
	p2 =	sne.s32 s0, $0x3C0  }
.Ltmp7:
0xbd: {  	_ = 	snop;
	(pc) =	sbr.rel @p2 .LBB2_8-.Ltmp7, $1  }
0xbe: {  	_ =	sdelay $0x3  }
0xbf: {  	[bflag:$0x0] =	sbarrier.arrive $0xFFFF;
	s0 =	simm.s32 @!p0 $0x1C01  }
0xc0: {  	[spmem:s31], [sflag:s0] =	dma.local @!p0 [hbm:s14], $0x4000  }
0xc1: {  	p2 =	sgt.s32 s29, $0x3BF;
	s0 =	simm.s32 @!p0 $0x1  }
.Ltmp8:
0xc2: {  	_ =	swait.ge @!p0 [sflag:s0], $0x4000;
	(pc) =	sbr.rel @p2 .LBB2_11-.Ltmp8, $3  }
0xc3: {  	[sflag:s0] =	ssyncset.done @!p0 $0x0  }
0xc4: {  	[sflag:s0] =	ssyncadd.s32 @!p0 $0xFFFFC000  }
0xc5: {  	[bflag:$0x0] =	sbarrier.arrive $0xFFFF;
	_ =	sdelay $0x1  }
0xc6: {  	p2 =	sgt.s32 s29, $0x380  }
0xc7: {  	s0 =	sshll.u32 @!p2 s6, $0x6  }
0xc8: {  	s2 =	sshrl.u32 @!p2 s4, $0x3;
	s0 =	sor.u32 @!p2 $0x1C03, s0  }
0xc9: {  	[hbm:s18], [sflag:s0] =	dma.local @!p2 [spmem:s2], $0x2000  }
.LBB2_14:
0xca: {  	p2 =	slt.s32 s29, $0x3C0  }
.Ltmp9:
0xcb: {  	_ = 	snop;
	(pc) =	sbr.rel @!p2 .LBB2_15-.Ltmp9, $4  }
0xcc: {  	_ = 	snop  }
0xcd: {  	s0 =	sshll.u32 s6, $0x6  }
0xce: {  	s2 =	sshrl.u32 s4, $0x3;
	s0 =	sor.u32 $0x1C03, s0  }
0xcf: {  	[hbm:s19], [sflag:s0] =	dma.local [spmem:s2], $0x2000  }
0xd0: {  	p2 =	sgt.s32 s29, $0x380  }
.Ltmp10:
0xd1: {  	_ = 	snop;
	(pc) =	sbr.rel @p2 .LBB2_18-.Ltmp10, $4  }
.Ltmp11:
0xd2: {  	_ = 	snop;
	(pc) =	sbr.rel @!p2 .LBB2_17-.Ltmp11, $4  }
0xd3: {  	_ = 	snop  }
0xd4: {  	_ = 	snop  }
0xd5: {  	_ = 	snop  }
0xd6: {  	_ = 	snop  }
.LBB2_11:
0xd7: {  	p2 =	slt.u32 s29, $0x400  }
.Ltmp12:
0xd8: {  	_ = 	snop;
	(pc) =	sbr.rel @!p2 .LBB2_12-.Ltmp12, $4  }
0xd9: {  	_ = 	snop  }
0xda: {  	s0 =	sshll.u32 s6, $0x6  }
0xdb: {  	s2 =	sshrl.u32 s22, $0x3;
	s0 =	sor.u32 $0x1C03, s0  }
0xdc: {  	[hbm:s18], [sflag:s0] =	dma.local [spmem:s2], $0x2000  }
0xdd: {  	p2 =	sne.s32 s29, $0x3C0  }
.Ltmp13:
0xde: {  	_ = 	snop;
	(pc) =	sbr.rel @p2 .LBB2_18-.Ltmp13, $4  }
.Ltmp14:
0xdf: {  	_ = 	snop;
	(pc) =	sbr.rel @!p2 .LBB2_14-.Ltmp14, $4  }
0xe0: {  	_ = 	snop  }
0xe1: {  	_ = 	snop  }
0xe2: {  	_ = 	snop  }
0xe3: {  	_ = 	snop  }
.LBB2_15:
0xe4: {  	p2 =	seq.s32 s29, $0x3C0  }
.Ltmp15:
0xe5: {  	_ = 	snop;
	(pc) =	sbr.rel @p2 .LBB2_18-.Ltmp15, $4  }
.Ltmp16:
0xe6: {  	_ = 	snop;
	(pc) =	sbr.rel @!p2 .LBB2_19-.Ltmp16, $4  }
0xe7: {  	_ =	swait.ge [sflag:s24], $0x2000  }
0xe8: {  	[sflag:s24] =	ssyncset.done $0x0  }
0xe9: {  	[sflag:s24] =	ssyncadd.s32 $0xFFFFE000  }
0xea: {  	_ = 	snop  }
.LBB2_20:
0xeb: {  	_ =	sfence.sel $0x180000  }
0xec: {  	[bflag:$0x0] =	sbarrier.arrive $0xFFFF  }
0xed: {  	_ =	strace $0x90000047  }
0xee: {  	[bflag:$0x2] =	sbarrier.arrive $0xFFFF  }
0xef: {  	s0 =	rddreg [dreg:$0x5]  }
0xf0: {  	s0 =	sadd.s32 @!p0 $0x100000, s0  }
0xf1: {  	[sflag:s0] =	ssyncadd.tile.s32 @!p0 $0x1;
	_ =	shalt  }
.Lfunc_end2:
_tile_overlayer_lowered:
.L_overlay_start_2:
0xf2: {  	(tag) =	ssettag $0x2  }
0xf3: {  	s0 =	rddreg [dreg:$0x0];
	s2 =	stileid.u32  }
0xf4: {  	s1 =	rddreg [dreg:$0x1];
	p0 =	sne.s32 s2, $0x0  }
0xf5: {  	s3 =	rddreg [dreg:$0x2];
	[bflag:$0x3] =	sbarrier.arrive $0xFFFF;
	s2 =	simm.s32 @!p0 $0x1C04  }
0xf6: {  	[timem:s3], [sflag:s2] =	dma.local @!p0 [hbm:s0], s1  }
0xf7: {  	s0 =	simm.s32 @!p0 $0x4  }
0xf8: {  	_ =	swait.ge @!p0 [sflag:s0], s1  }
0xf9: {  	s1 =	ssub.s32 @!p0 $0x0, s1;
	[sflag:s0] =	ssyncset.done @!p0 $0x0  }
0xfa: {  	[sflag:s0] =	ssyncadd.s32 @!p0 s1  }
0xfb: {  	[bflag:$0x3] =	sbarrier.arrive $0xFFFF  }
0xfc: {  	_ =	shalt  }

</sc_bundles>
